<compile_context>
chip_gen: v7x
topology: tpu7x:2x2x1
jax: 0.10.2.dev20260603
libtpu: 0.0.44.dev20260713+nightly
codegen_flags: <defaults>
</compile_context>

<pallas_src>
import functools

import jax
import jax.numpy as jnp
from jax import lax
from jax.experimental import pallas as pl
from jax.experimental.pallas import tpu as pltpu
from jax.experimental.pallas import tpu_sc as plsc

_B = 64
_N = 1_000_000
_L = 16
_ROWS_PER_B = _N // _L
_CW = 16384


def _sc_gather_thresholds(flat, target):
    mesh = plsc.VectorSubcoreMesh(core_axis_name="c", subcore_axis_name="s")

    @functools.partial(
        pl.kernel,
        mesh=mesh,
        out_type=jax.ShapeDtypeStruct((_B,), jnp.float32),
        scratch_types=[
            pltpu.VMEM((_B,), jnp.int32),
            pltpu.VMEM((_B,), jnp.int32),
            pltpu.VMEM((_B,), jnp.float32),
            pltpu.SemaphoreType.DMA,
        ],
    )
    def gather_kernel(flat_hbm, tgt_hbm, out_hbm, tgt_v, idx_v, val_v, sem):
        cid = lax.axis_index("c")
        sid = lax.axis_index("s")

        @pl.when(jnp.logical_and(cid == 0, sid == 0))
        def _():
            pltpu.sync_copy(tgt_hbm, tgt_v)
            for c in range(_B // _L):
                t = tgt_v[pl.ds(c * _L, _L)]
                b = lax.iota(jnp.int32, _L) + c * _L
                idx_v[pl.ds(c * _L, _L)] = b * _N + t
            pltpu.async_copy(flat_hbm.at[idx_v], val_v, sem).wait()
            pltpu.sync_copy(val_v, out_hbm)

    return gather_kernel(flat, target)


def _count_body(v_ref, t_ref, x_ref, out1_ref, out5_ref, acc_ref):
    j = pl.program_id(0)
    nj = pl.num_programs(0)

    @pl.when(j == 0)
    def _():
        acc_ref[...] = jnp.zeros_like(acc_ref)

    x = x_ref[...]
    v = v_ref[...]
    t = t_ref[...]
    col = j * _CW + lax.broadcasted_iota(jnp.int32, x.shape, 1)
    contrib = (x >= v) & ((x > v) | (col < t))

    @pl.when(j < nj - 1)
    def _():
        acc_ref[...] += jnp.sum(contrib.astype(jnp.int32), axis=1,
                                keepdims=True)

    @pl.when(j == nj - 1)
    def _():
        valid = col < _N
        acc_ref[...] += jnp.sum((contrib & valid).astype(jnp.int32), axis=1,
                                keepdims=True)
        rank = acc_ref[...]
        inv_b = jnp.float32(1.0 / _B)
        top1 = jnp.sum((rank < 1).astype(jnp.float32)) * inv_b
        top5 = jnp.sum((rank < 5).astype(jnp.float32)) * inv_b
        out1_ref[...] = top1.reshape(1, 1)
        out5_ref[...] = top5.reshape(1, 1)


def _tc_count(output, thresholds, target, interpret=False):
    nblocks = pl.cdiv(_N, _CW)
    out1, out5 = pl.pallas_call(
        _count_body,
        grid=(nblocks,),
        in_specs=[
            pl.BlockSpec((_B, 1), lambda j: (0, 0)),
            pl.BlockSpec((_B, 1), lambda j: (0, 0)),
            pl.BlockSpec((_B, _CW), lambda j: (0, j)),
        ],
        out_specs=[
            pl.BlockSpec((1, 1), lambda j: (0, 0)),
            pl.BlockSpec((1, 1), lambda j: (0, 0)),
        ],
        out_shape=[
            jax.ShapeDtypeStruct((1, 1), jnp.float32),
            jax.ShapeDtypeStruct((1, 1), jnp.float32),
        ],
        scratch_shapes=[pltpu.VMEM((_B, 1), jnp.int32)],
        compiler_params=pltpu.CompilerParams(
            dimension_semantics=("arbitrary",),
        ),
        interpret=interpret,
    )(thresholds.reshape(_B, 1), target.reshape(_B, 1), output)
    return out1.reshape(1), out5.reshape(1)


def kernel(output, target):
    flat = jax.lax.iota(jnp.float32, _B * _N)
    thresholds = _sc_gather_thresholds(flat, target)
    return _tc_count(output, thresholds, target)

# --- scband reference (transcript-rebuilt; emitter-appended) ---
"""Pipeline reference for scband-accuracy-many-43293270343804 (READ-ONLY COPY).

The authoritative reference and input builder live on the scoring server;
editing this copy changes nothing except your own understanding.
"""

import jax, jax.numpy as jnp
import numpy as np

TOPK = (1, 5)

def setup_inputs(seed: int = 0) -> dict:
    key = jax.random.key(seed)
    k1, k2 = jax.random.split(key)
    output = jax.random.normal(k1, (64, 1000000), dtype=jnp.float32)
    target = jax.random.randint(k2, (64,), 0, 1000000, dtype=jnp.int64 if jax.config.jax_enable_x64 else jnp.int32).astype(jnp.int32)
    return {"output": output, "target": target}

def reference(output, target):
    maxk = max(TOPK)
    batch_size = target.shape[0]
    # output.topk(maxk, dim=1, largest=True, sorted=True)
    _, pred = jax.lax.top_k(output, maxk)  # [B, maxk]
    pred = pred.T  # [maxk, B]
    correct = pred == jnp.reshape(target, (1, -1))  # [maxk, B]
    res = []
    for k in TOPK:
        correct_k = jnp.sum(correct[:k].reshape(-1).astype(jnp.float32)).reshape(1)
        res.append(correct_k * (1.0 / batch_size))
    return tuple(res)

if __name__ == "__main__":
    import jax
    _d = setup_inputs()
    print(jax.jit(kernel)(*tuple(_d.values())))

</pallas_src>

<mosaic_0001>
#map = affine_map<(d0, d1) -> (0)>
module attributes {stable_mosaic.version = 14 : i64} {
  func.func @gather_kernel(%arg0: i32, %arg1: i32, %arg2: memref<64000000xf32, #tpu.memory_space<hbm>>, %arg3: memref<64xi32, #tpu.memory_space<hbm>>, %arg4: memref<64xf32, #tpu.memory_space<hbm>>, %arg5: memref<64xi32, #tpu.memory_space<vmem>>, %arg6: memref<64xi32, #tpu.memory_space<vmem>>, %arg7: memref<64xf32, #tpu.memory_space<vmem>>, %arg8: memref<!tpu.dma_semaphore, #tpu.memory_space<semaphore_mem>>) attributes {dimension_semantics = [#tpu.dimension_semantics<core_parallel>, #tpu.dimension_semantics<subcore_parallel>], iteration_bounds = array<i64: 2, 16>, scalar_prefetch = 0 : i64, scratch_operands = 4 : i64, tpu.core_type = #tpu.core_type<sc_vector_subcore>, window_params = [{transform_indices = #map}, {transform_indices = #map}, {transform_indices = #map}]} {
    %eq3A = arith.constant 0 : i32
    %eq3A_0 = arith.cmpi eq, %arg0, %eq3A : i32
    %eq3A_1 = arith.constant 0 : i32
    %eq3A_2 = arith.cmpi eq, %arg1, %eq3A_1 : i32
    %and3A = arith.andi %eq3A_0, %eq3A_2 : i1
    %convert_element_type3A = arith.extui %and3A : i1 to i32
    %cond3A = arith.constant 0 : i32
    %cond3A_3 = arith.cmpi ne, %convert_element_type3A, %cond3A : i32
    scf.if %cond3A_3 {
      "tpu.region"() ({
        %run_scoped3A = tpu.sem_alloc : memref<!tpu.dma_semaphore, #tpu.memory_space<semaphore_mem>>
        tpu.enqueue_dma source(%arg3 : memref<64xi32, #tpu.memory_space<hbm>>) target(%arg5 : memref<64xi32, #tpu.memory_space<vmem>>) target_semaphore(%run_scoped3A : memref<!tpu.dma_semaphore, #tpu.memory_space<semaphore_mem>>)
        tpu.wait_dma2 semaphore(%run_scoped3A : memref<!tpu.dma_semaphore, #tpu.memory_space<semaphore_mem>>) src(%arg3 : memref<64xi32, #tpu.memory_space<hbm>>) dst(%arg5 : memref<64xi32, #tpu.memory_space<vmem>>)
        tpu.yield
      }) : () -> ()
      %get3A = arith.constant 0 : index
      %get3A_4 = tpu.vector_load %arg5[%get3A] {strides = array<i32>} : memref<64xi32, #tpu.memory_space<vmem>>, vector<16xi32>,
      %get3A_5 = vector.shape_cast %get3A_4 : vector<16xi32> to vector<16xi32>
      %iota3A = tpu.iota {dimensions = array<i32: 0>} : vector<16xi32>
      %add3A = arith.constant 0 : i32
      %add3A_6 = vector.broadcast %add3A : i32 to vector<16xi32>
      %add3A_7 = arith.addi %iota3A, %add3A_6 : vector<16xi32>
      %mul3A = arith.constant 1000000 : i32
      %mul3A_8 = vector.broadcast %mul3A : i32 to vector<16xi32>
      %mul3A_9 = arith.muli %add3A_7, %mul3A_8 : vector<16xi32>
      %add3A_10 = arith.addi %mul3A_9, %get3A_5 : vector<16xi32>
      %swap3A = arith.constant 0 : index
      %swap3A_11 = tpu.vector_load %arg6[%swap3A] {strides = array<i32>} : memref<64xi32, #tpu.memory_space<vmem>>, vector<16xi32>,
      %swap3A_12 = vector.shape_cast %swap3A_11 : vector<16xi32> to vector<16xi32>
      %swap3A_13 = vector.shape_cast %add3A_10 : vector<16xi32> to vector<16xi32>
      tpu.vector_store %arg6[%swap3A], %swap3A_13 {strides = array<i32>} : memref<64xi32, #tpu.memory_space<vmem>>, vector<16xi32>,
      %get3A_14 = arith.constant 16 : index
      %get3A_15 = tpu.vector_load %arg5[%get3A_14] {strides = array<i32>} : memref<64xi32, #tpu.memory_space<vmem>>, vector<16xi32>,
      %get3A_16 = vector.shape_cast %get3A_15 : vector<16xi32> to vector<16xi32>
      %iota3A_17 = tpu.iota {dimensions = array<i32: 0>} : vector<16xi32>
      %add3A_18 = arith.constant 16 : i32
      %add3A_19 = vector.broadcast %add3A_18 : i32 to vector<16xi32>
      %add3A_20 = arith.addi %iota3A_17, %add3A_19 : vector<16xi32>
      %mul3A_21 = arith.constant 1000000 : i32
      %mul3A_22 = vector.broadcast %mul3A_21 : i32 to vector<16xi32>
      %mul3A_23 = arith.muli %add3A_20, %mul3A_22 : vector<16xi32>
      %add3A_24 = arith.addi %mul3A_23, %get3A_16 : vector<16xi32>
      %swap3A_25 = arith.constant 16 : index
      %swap3A_26 = tpu.vector_load %arg6[%swap3A_25] {strides = array<i32>} : memref<64xi32, #tpu.memory_space<vmem>>, vector<16xi32>,
      %swap3A_27 = vector.shape_cast %swap3A_26 : vector<16xi32> to vector<16xi32>
      %swap3A_28 = vector.shape_cast %add3A_24 : vector<16xi32> to vector<16xi32>
      tpu.vector_store %arg6[%swap3A_25], %swap3A_28 {strides = array<i32>} : memref<64xi32, #tpu.memory_space<vmem>>, vector<16xi32>,
      %get3A_29 = arith.constant 32 : index
      %get3A_30 = tpu.vector_load %arg5[%get3A_29] {strides = array<i32>} : memref<64xi32, #tpu.memory_space<vmem>>, vector<16xi32>,
      %get3A_31 = vector.shape_cast %get3A_30 : vector<16xi32> to vector<16xi32>
      %iota3A_32 = tpu.iota {dimensions = array<i32: 0>} : vector<16xi32>
      %add3A_33 = arith.constant 32 : i32
      %add3A_34 = vector.broadcast %add3A_33 : i32 to vector<16xi32>
      %add3A_35 = arith.addi %iota3A_32, %add3A_34 : vector<16xi32>
      %mul3A_36 = arith.constant 1000000 : i32
      %mul3A_37 = vector.broadcast %mul3A_36 : i32 to vector<16xi32>
      %mul3A_38 = arith.muli %add3A_35, %mul3A_37 : vector<16xi32>
      %add3A_39 = arith.addi %mul3A_38, %get3A_31 : vector<16xi32>
      %swap3A_40 = arith.constant 32 : index
      %swap3A_41 = tpu.vector_load %arg6[%swap3A_40] {strides = array<i32>} : memref<64xi32, #tpu.memory_space<vmem>>, vector<16xi32>,
      %swap3A_42 = vector.shape_cast %swap3A_41 : vector<16xi32> to vector<16xi32>
      %swap3A_43 = vector.shape_cast %add3A_39 : vector<16xi32> to vector<16xi32>
      tpu.vector_store %arg6[%swap3A_40], %swap3A_43 {strides = array<i32>} : memref<64xi32, #tpu.memory_space<vmem>>, vector<16xi32>,
      %get3A_44 = arith.constant 48 : index
      %get3A_45 = tpu.vector_load %arg5[%get3A_44] {strides = array<i32>} : memref<64xi32, #tpu.memory_space<vmem>>, vector<16xi32>,
      %get3A_46 = vector.shape_cast %get3A_45 : vector<16xi32> to vector<16xi32>
      %iota3A_47 = tpu.iota {dimensions = array<i32: 0>} : vector<16xi32>
      %add3A_48 = arith.constant 48 : i32
      %add3A_49 = vector.broadcast %add3A_48 : i32 to vector<16xi32>
      %add3A_50 = arith.addi %iota3A_47, %add3A_49 : vector<16xi32>
      %mul3A_51 = arith.constant 1000000 : i32
      %mul3A_52 = vector.broadcast %mul3A_51 : i32 to vector<16xi32>
      %mul3A_53 = arith.muli %add3A_50, %mul3A_52 : vector<16xi32>
      %add3A_54 = arith.addi %mul3A_53, %get3A_46 : vector<16xi32>
      %swap3A_55 = arith.constant 48 : index
      %swap3A_56 = tpu.vector_load %arg6[%swap3A_55] {strides = array<i32>} : memref<64xi32, #tpu.memory_space<vmem>>, vector<16xi32>,
      %swap3A_57 = vector.shape_cast %swap3A_56 : vector<16xi32> to vector<16xi32>
      %swap3A_58 = vector.shape_cast %add3A_54 : vector<16xi32> to vector<16xi32>
      tpu.vector_store %arg6[%swap3A_55], %swap3A_58 {strides = array<i32>} : memref<64xi32, #tpu.memory_space<vmem>>, vector<16xi32>,
      %dma_start3A = arith.constant 0 : i32
      %dma_start3A_59 = tpu.memref_slice %arg2[%dma_start3A] : memref<64000000xf32, #tpu.memory_space<hbm>> -> memref<64000000xf32, #tpu.memory_space<hbm>>
      tpu.enqueue_indirect_dma source(%dma_start3A_59 : memref<64000000xf32, #tpu.memory_space<hbm>>) target(%arg7 : memref<64xf32, #tpu.memory_space<vmem>>) offsets(%arg6 : memref<64xi32, #tpu.memory_space<vmem>>) semaphore(%arg8 : memref<!tpu.dma_semaphore, #tpu.memory_space<semaphore_mem>>)
      %dma_wait3A = arith.constant 0 : i32
      %dma_wait3A_60 = tpu.memref_slice %arg2[%dma_wait3A] : memref<64000000xf32, #tpu.memory_space<hbm>> -> memref<64000000xf32, #tpu.memory_space<hbm>>
      tpu.wait_indirect_dma semaphore(%arg8 : memref<!tpu.dma_semaphore, #tpu.memory_space<semaphore_mem>>) src(%dma_wait3A_60 : memref<64000000xf32, #tpu.memory_space<hbm>>) dst(%arg7 : memref<64xf32, #tpu.memory_space<vmem>>)
      "tpu.region"() ({
        %run_scoped3A = tpu.sem_alloc : memref<!tpu.dma_semaphore, #tpu.memory_space<semaphore_mem>>
        tpu.enqueue_dma source(%arg7 : memref<64xf32, #tpu.memory_space<vmem>>) target(%arg4 : memref<64xf32, #tpu.memory_space<hbm>>) target_semaphore(%run_scoped3A : memref<!tpu.dma_semaphore, #tpu.memory_space<semaphore_mem>>)
        tpu.wait_dma2 semaphore(%run_scoped3A : memref<!tpu.dma_semaphore, #tpu.memory_space<semaphore_mem>>) src(%arg7 : memref<64xf32, #tpu.memory_space<vmem>>) dst(%arg4 : memref<64xf32, #tpu.memory_space<hbm>>)
        tpu.yield
      }) : () -> ()
    } else {
    }
    return
  }
}

module attributes {stable_mosaic.version = 14 : i64} {
  func.func @_count_body(%arg0: i32, %arg1: memref<64x1xf32, #tpu.memory_space<vmem>>, %arg2: memref<64x1xi32, #tpu.memory_space<vmem>>, %arg3: memref<64x16384xf32, #tpu.memory_space<vmem>>, %arg4: memref<1x1xf32, #tpu.memory_space<vmem>>, %arg5: memref<1x1xf32, #tpu.memory_space<vmem>>, %arg6: memref<64x1xi32, #tpu.memory_space<vmem>>) attributes {dimension_semantics = [#tpu.dimension_semantics<arbitrary>], iteration_bounds = array<i64: 62>, scalar_prefetch = 0 : i64, scratch_operands = 1 : i64, tpu.core_type = #tpu.core_type<tc>, window_params = [{pipeline_mode = #tpu.pipeline_mode<synchronous>, transform_indices = @transform_0, window_bounds = array<i64: 64, 1>}, {pipeline_mode = #tpu.pipeline_mode<synchronous>, transform_indices = @transform_1, window_bounds = array<i64: 64, 1>}, {transform_indices = @transform_2, window_bounds = array<i64: 64, 16384>}, {pipeline_mode = #tpu.pipeline_mode<synchronous>, transform_indices = @transform_3, window_bounds = array<i64: 1, 1>}, {pipeline_mode = #tpu.pipeline_mode<synchronous>, transform_indices = @transform_4, window_bounds = array<i64: 1, 1>}]} {
    %eq3A = arith.constant 0 : i32
    %eq3A_0 = arith.cmpi eq, %arg0, %eq3A : i32
    %convert_element_type3A = arith.extui %eq3A_0 : i1 to i32
    %cond3A = arith.constant 0 : i32
    %cond3A_1 = arith.cmpi ne, %convert_element_type3A, %cond3A : i32
    scf.if %cond3A_1 {
      %broadcast_in_dim3A = arith.constant 0 : i32
      %broadcast_in_dim3A_25 = vector.broadcast %broadcast_in_dim3A : i32 to vector<64x1xi32>
      %swap3A = arith.constant 0 : index
      %swap3A_26 = arith.constant 0 : index
      %swap3A_27 = vector.load %arg6[%swap3A, %swap3A_26] : memref<64x1xi32, #tpu.memory_space<vmem>>, vector<64x1xi32>
      tpu.vector_store %arg6[%swap3A, %swap3A_26], %broadcast_in_dim3A_25 {strides = array<i32>} : memref<64x1xi32, #tpu.memory_space<vmem>>, vector<64x1xi32>,
    } else {
    }
    %get3A = arith.constant 0 : index
    %get3A_2 = arith.constant 0 : index
    %get3A_3 = vector.load %arg3[%get3A, %get3A_2] : memref<64x16384xf32, #tpu.memory_space<vmem>>, vector<64x16384xf32>
    %get3A_4 = arith.constant 0 : index
    %get3A_5 = arith.constant 0 : index
    %get3A_6 = vector.load %arg1[%get3A_4, %get3A_5] : memref<64x1xf32, #tpu.memory_space<vmem>>, vector<64x1xf32>
    %get3A_7 = arith.constant 0 : index
    %get3A_8 = arith.constant 0 : index
    %get3A_9 = vector.load %arg2[%get3A_7, %get3A_8] : memref<64x1xi32, #tpu.memory_space<vmem>>, vector<64x1xi32>
    %mul3A = arith.constant 16384 : i32
    %mul3A_10 = arith.muli %arg0, %mul3A : i32
    %iota3A = tpu.iota {dimensions = array<i32: 1>} : vector<64x16384xi32>
    %add3A = vector.broadcast %mul3A_10 : i32 to vector<64x16384xi32>
    %add3A_11 = arith.addi %add3A, %iota3A : vector<64x16384xi32>
    %ge3A = vector.broadcast %get3A_6 : vector<64x1xf32> to vector<64x16384xf32>
    %ge3A_12 = arith.cmpf oge, %get3A_3, %ge3A : vector<64x16384xf32>
    %gt3A = vector.broadcast %get3A_6 : vector<64x1xf32> to vector<64x16384xf32>
    %gt3A_13 = arith.cmpf ogt, %get3A_3, %gt3A : vector<64x16384xf32>
    %lt3A = vector.broadcast %get3A_9 : vector<64x1xi32> to vector<64x16384xi32>
    %lt3A_14 = arith.cmpi slt, %add3A_11, %lt3A : vector<64x16384xi32>
    %or3A = arith.ori %gt3A_13, %lt3A_14 : vector<64x16384xi1>
    %and3A = arith.andi %ge3A_12, %or3A : vector<64x16384xi1>
    %lt3A_15 = arith.constant 61 : i32
    %lt3A_16 = arith.cmpi slt, %arg0, %lt3A_15 : i32
    %convert_element_type3A_17 = arith.extui %lt3A_16 : i1 to i32
    %cond3A_18 = arith.constant 0 : i32
    %cond3A_19 = arith.cmpi ne, %convert_element_type3A_17, %cond3A_18 : i32
    scf.if %cond3A_19 {
      %get3A_25 = arith.constant 0 : index
      %get3A_26 = arith.constant 0 : index
      %get3A_27 = vector.load %arg6[%get3A_25, %get3A_26] : memref<64x1xi32, #tpu.memory_space<vmem>>, vector<64x1xi32>
      %convert_element_type3A_28 = arith.extui %and3A : vector<64x16384xi1> to vector<64x16384xi32>
      %reduce_sum3A = arith.constant dense<0> : vector<64xi32>
      %reduce_sum3A_29 = vector.multi_reduction <add>, %convert_element_type3A_28, %reduce_sum3A [1] : vector<64x16384xi32> to vector<64xi32>
      %broadcast_in_dim3A = vector.shape_cast %reduce_sum3A_29 : vector<64xi32> to vector<64x1xi32>
      %add3A_30 = arith.addi %get3A_27, %broadcast_in_dim3A : vector<64x1xi32>
      %swap3A = arith.constant 0 : index
      %swap3A_31 = arith.constant 0 : index
      %swap3A_32 = vector.load %arg6[%swap3A, %swap3A_31] : memref<64x1xi32, #tpu.memory_space<vmem>>, vector<64x1xi32>
      tpu.vector_store %arg6[%swap3A, %swap3A_31], %add3A_30 {strides = array<i32>} : memref<64x1xi32, #tpu.memory_space<vmem>>, vector<64x1xi32>,
    } else {
    }
    %eq3A_20 = arith.constant 61 : i32
    %eq3A_21 = arith.cmpi eq, %arg0, %eq3A_20 : i32
    %convert_element_type3A_22 = arith.extui %eq3A_21 : i1 to i32
    %cond3A_23 = arith.constant 0 : i32
    %cond3A_24 = arith.cmpi ne, %convert_element_type3A_22, %cond3A_23 : i32
    scf.if %cond3A_24 {
      %lt3A_25 = arith.constant 1000000 : i32
      %lt3A_26 = vector.broadcast %lt3A_25 : i32 to vector<64x16384xi32>
      %lt3A_27 = arith.cmpi slt, %add3A_11, %lt3A_26 : vector<64x16384xi32>
      %get3A_28 = arith.constant 0 : index
      %get3A_29 = arith.constant 0 : index
      %get3A_30 = vector.load %arg6[%get3A_28, %get3A_29] : memref<64x1xi32, #tpu.memory_space<vmem>>, vector<64x1xi32>
      %and3A_31 = arith.andi %and3A, %lt3A_27 : vector<64x16384xi1>
      %convert_element_type3A_32 = arith.extui %and3A_31 : vector<64x16384xi1> to vector<64x16384xi32>
      %reduce_sum3A = arith.constant dense<0> : vector<64xi32>
      %reduce_sum3A_33 = vector.multi_reduction <add>, %convert_element_type3A_32, %reduce_sum3A [1] : vector<64x16384xi32> to vector<64xi32>
      %broadcast_in_dim3A = vector.shape_cast %reduce_sum3A_33 : vector<64xi32> to vector<64x1xi32>
      %add3A_34 = arith.addi %get3A_30, %broadcast_in_dim3A : vector<64x1xi32>
      %swap3A = arith.constant 0 : index
      %swap3A_35 = arith.constant 0 : index
      %swap3A_36 = vector.load %arg6[%swap3A, %swap3A_35] : memref<64x1xi32, #tpu.memory_space<vmem>>, vector<64x1xi32>
      tpu.vector_store %arg6[%swap3A, %swap3A_35], %add3A_34 {strides = array<i32>} : memref<64x1xi32, #tpu.memory_space<vmem>>, vector<64x1xi32>,
      %get3A_37 = arith.constant 0 : index
      %get3A_38 = arith.constant 0 : index
      %get3A_39 = vector.load %arg6[%get3A_37, %get3A_38] : memref<64x1xi32, #tpu.memory_space<vmem>>, vector<64x1xi32>
      %lt3A_40 = arith.constant 1 : i32
      %lt3A_41 = vector.broadcast %lt3A_40 : i32 to vector<64x1xi32>
      %lt3A_42 = arith.cmpi slt, %get3A_39, %lt3A_41 : vector<64x1xi32>
      %convert_element_type3A_43 = arith.extui %lt3A_42 : vector<64x1xi1> to vector<64x1xi32>
      %convert_element_type3A_44 = arith.sitofp %convert_element_type3A_43 : vector<64x1xi32> to vector<64x1xf32>
      %reduce_sum3A_45 = vector.shape_cast %convert_element_type3A_44 : vector<64x1xf32> to vector<1x64x1xf32>
      %reduce_sum3A_46 = arith.constant dense<0.000000e+00> : vector<1xf32>
      %reduce_sum3A_47 = vector.multi_reduction <add>, %reduce_sum3A_45, %reduce_sum3A_46 [1, 2] : vector<1x64x1xf32> to vector<1xf32>
      %reduce_sum3A_48 = vector.shape_cast %reduce_sum3A_47 : vector<1xf32> to vector<1x1x1xf32>
      %reduce_sum3A_49 = vector.extract %reduce_sum3A_48[0, 0, 0] : f32 from vector<1x1x1xf32>
      %mul3A_50 = arith.constant 1.562500e-02 : f32
      %mul3A_51 = arith.mulf %reduce_sum3A_49, %mul3A_50 : f32
      %lt3A_52 = arith.constant 5 : i32
      %lt3A_53 = vector.broadcast %lt3A_52 : i32 to vector<64x1xi32>
      %lt3A_54 = arith.cmpi slt, %get3A_39, %lt3A_53 : vector<64x1xi32>
      %convert_element_type3A_55 = arith.extui %lt3A_54 : vector<64x1xi1> to vector<64x1xi32>
      %convert_element_type3A_56 = arith.sitofp %convert_element_type3A_55 : vector<64x1xi32> to vector<64x1xf32>
      %reduce_sum3A_57 = vector.shape_cast %convert_element_type3A_56 : vector<64x1xf32> to vector<1x64x1xf32>
      %reduce_sum3A_58 = arith.constant dense<0.000000e+00> : vector<1xf32>
      %reduce_sum3A_59 = vector.multi_reduction <add>, %reduce_sum3A_57, %reduce_sum3A_58 [1, 2] : vector<1x64x1xf32> to vector<1xf32>
      %reduce_sum3A_60 = vector.shape_cast %reduce_sum3A_59 : vector<1xf32> to vector<1x1x1xf32>
      %reduce_sum3A_61 = vector.extract %reduce_sum3A_60[0, 0, 0] : f32 from vector<1x1x1xf32>
      %mul3A_62 = arith.constant 1.562500e-02 : f32
      %mul3A_63 = arith.mulf %reduce_sum3A_61, %mul3A_62 : f32
      %reshape3A = vector.broadcast %mul3A_51 : f32 to vector<1x1xf32>
      %swap3A_64 = arith.constant 0 : index
      %swap3A_65 = arith.constant 0 : index
      %swap3A_66 = vector.load %arg4[%swap3A_64, %swap3A_65] : memref<1x1xf32, #tpu.memory_space<vmem>>, vector<1x1xf32>
      tpu.vector_store %arg4[%swap3A_64, %swap3A_65], %reshape3A {strides = array<i32>} : memref<1x1xf32, #tpu.memory_space<vmem>>, vector<1x1xf32>,
      %reshape3A_67 = vector.broadcast %mul3A_63 : f32 to vector<1x1xf32>
      %swap3A_68 = arith.constant 0 : index
      %swap3A_69 = arith.constant 0 : index
      %swap3A_70 = vector.load %arg5[%swap3A_68, %swap3A_69] : memref<1x1xf32, #tpu.memory_space<vmem>>, vector<1x1xf32>
      tpu.vector_store %arg5[%swap3A_68, %swap3A_69], %reshape3A_67 {strides = array<i32>} : memref<1x1xf32, #tpu.memory_space<vmem>>, vector<1x1xf32>,
    } else {
    }
    return
  }
  func.func @transform_0(%arg0: i32) -> (i32, i32) {
    %c0_i32 = arith.constant 0 : i32
    %c0_i32_0 = arith.constant 0 : i32
    %c0_i32_1 = arith.constant 0 : i32
    return %c0_i32, %c0_i32_0 : i32, i32
  }
  func.func @transform_1(%arg0: i32) -> (i32, i32) {
    %c0_i32 = arith.constant 0 : i32
    %c0_i32_0 = arith.constant 0 : i32
    %c0_i32_1 = arith.constant 0 : i32
    return %c0_i32, %c0_i32_0 : i32, i32
  }
  func.func @transform_2(%arg0: i32) -> (i32, i32) {
    %c0_i32 = arith.constant 0 : i32
    %c0_i32_0 = arith.constant 0 : i32
    return %c0_i32, %arg0 : i32, i32
  }
  func.func @transform_3(%arg0: i32) -> (i32, i32) {
    %c0_i32 = arith.constant 0 : i32
    %c0_i32_0 = arith.constant 0 : i32
    %c0_i32_1 = arith.constant 0 : i32
    return %c0_i32, %c0_i32_0 : i32, i32
  }
  func.func @transform_4(%arg0: i32) -> (i32, i32) {
    %c0_i32 = arith.constant 0 : i32
    %c0_i32_0 = arith.constant 0 : i32
    %c0_i32_1 = arith.constant 0 : i32
    return %c0_i32, %c0_i32_0 : i32, i32
  }
}

</mosaic_0001>

<sc_bundles>
// kernel: kernel.4.cloned.1.call-start
scs
__scs_entry_jumppad:
0x0: {  	(pc) =	sbr.rel $0x88, $3  }
0x1: {  	(tag) =	ssettag $0x0;
	lr =	simm.s32 $0x1  }
0x2: {  	[smem:$0x3F9F] =	sst lr;
	_ =	strace $0xD0000000  }
0x3: {  	_ = 	snop  }
0x4: {  	_ = 	snop  }
0x5: {  	_ = 	snop  }
0x6: {  	_ = 	snop  }
0x7: {  	_ = 	snop  }
__scs_overlays_trampoline_lowered:
0x8: {  	[smem:$0x3FAE] =	sst s0  }
0x9: {  	[smem:$0x3FAF] =	sst s1  }
0xa: {  	[smem:$0x3FB0] =	sst s2  }
0xb: {  	[smem:$0x3FB1] =	sst s3  }
0xc: {  	[smem:$0x3FB2] =	sst s4  }
0xd: {  	[smem:$0x3FB3] =	sst s5  }
0xe: {  	[smem:$0x3FB4] =	sst s6  }
0xf: {  	[smem:$0x3FB5] =	sst s7  }
0x10: {  	[smem:$0x3FB6] =	sst s8  }
0x11: {  	[smem:$0x3FB7] =	sst s9;
	s0 =	simm.s32 @!p0 $0x0  }
0x12: {  	s1 =	sld [smem:$0x3F9D];
	s0 =	simm.s32 @p0 $0x1  }
0x13: {  	[smem:$0x3FB8] =	sst s0;
	s0 =	simm.s32 @!p1 $0x0  }
0x14: {  	s2 =	sld [smem:$0x3F9C];
	s0 =	simm.s32 @p1 $0x1  }
0x15: {  	[smem:$0x3FB9] =	sst s0;
	s0 =	simm.s32 @!p2 $0x0  }
0x16: {  	s3 =	sld [smem:$0x3FDB];
	s0 =	simm.s32 @p2 $0x1  }
0x17: {  	s4 =	simm.s32 $0x1BF5;
	[smem:$0x3FBB] =	sst s0  }
0x18: {  	s0 =	sld [smem:$0x3F9E];
	_ =	swait.ge [sflag:s4], $0x0  }
0x19: {  	s7 =	sld [smem:$0x3F9F]  }
0x1a: {  	s8 =	sadd.s32 $0xFFFFE003, lr  }
0x1b: {  	s9 =	sadd.s32 $0xFFFFFEF7, lr;
	s5 =	simm.s32 $0xFFFFFFFF;
	p2 =	slt.u32 s8, $0xFFFFF086  }
0x1c: {  	p1 =	slt.u32 s9, $0xF7A;
	s5 =	simm.s32 @!p2 $0x0  }
0x1d: {  	s5 =	simm.s32 @p1 $0x1;
	p0 =	seq.s32 s7, s2  }
0x1e: {  	s7 =	smul.u32 @!p0 $0xF7A, s2;
	p2 =	seq.s32 @!p0 s5, $0x0  }
0x1f: {  	s9 =	smul.u32 $0xF7A, s1;
	s8 =	simm.s32 @!p0 $0x1BF5;
	p2 =	por !p2, p0  }
0x20: {  	[sflag:s8] =	ssyncset.s32 @!p0 $0xFFFFF086;
	s6 =	sadd.s32 @!p0 s3, s7;
	s7 =	simm.s32 @!p0 $0x108  }
0x21: {  	s3 =	sadd.s32 s3, s9;
	s6 =	sadd.s32 @!p0 $0x88, s6;
	s7 =	simm.s32 @p2 $0x1082  }
0x22: {  	[simem:s7], [sflag:s8] =	dma.local @!p0 [hbm:s6], $0xF7A  }
0x23: {  	s9 =	sor.u32 $0xD0000000, s2;
	s6 =	simm.s32 $0x108;
	_ =	swait.ge @!p0 [sflag:s8], $0x0  }
0x24: {  	s3 =	sadd.s32 $0x88, s3;
	s6 =	simm.s32 @!p1 $0x1082;
	[sflag:s4] =	ssyncset.s32 $0xFFFFF086  }
0x25: {  	[simem:s6], [sflag:s4] =	dma.local [hbm:s3], $0xF7A  }
0x26: {  	[smem:$0x3F9F] =	sst s1;
	(tag) =	ssettag s2;
	_ =	strace s9  }
0x27: {  	s1 =	sld [smem:$0x3FAF]  }
0x28: {  	s2 =	sld [smem:$0x3FB0]  }
0x29: {  	s4 =	sld [smem:$0x3FB2]  }
0x2a: {  	p0 =	seq.s32 s5, $0x0;
	s5 =	sld [smem:$0x3FB3]  }
0x2b: {  	s6 =	sld [smem:$0x3FB4]  }
0x2c: {  	s7 =	sld [smem:$0x3FB5]  }
0x2d: {  	s3 =	simm.s32 $0x108;
	s8 =	sld [smem:$0x3FB6]  }
0x2e: {  	s3 =	simm.s32 @!p0 $0x1082;
	s9 =	sld [smem:$0x3FB7]  }
0x2f: {  	lr =	sadd.s32 s0, s3;
	s0 =	sld [smem:$0x3FAE]  }
0x30: {  	s3 =	sld [smem:$0x3FB1]  }
0x31: {  	[smem:$0x3FBA] =	sst s10  }
0x32: {  	s10 =	sld [smem:$0x3FB8];
	_ =	sdelay $0x3  }
0x33: {  	p0 =	seq.s32 s10, $0x1;
	s10 =	sld [smem:$0x3FBA];
	_ =	sdelay $0x3  }
0x34: {  	[smem:$0x3FBA] =	sst s10  }
0x35: {  	s10 =	sld [smem:$0x3FB9];
	_ =	sdelay $0x3  }
0x36: {  	p1 =	seq.s32 s10, $0x1;
	s10 =	sld [smem:$0x3FBA];
	_ =	sdelay $0x3  }
0x37: {  	[smem:$0x3FBA] =	sst s10  }
0x38: {  	s10 =	sld [smem:$0x3FBB]  }
0x39: {  	_ = 	snop;
	(pc) =	sbr.ind lr, $3  }
0x3a: {  	_ = 	snop  }
0x3b: {  	_ = 	snop  }
0x3c: {  	p2 =	seq.s32 s10, $0x1;
	s10 =	sld [smem:$0x3FBA]  }
0x3d: {  	_ =	shalt  }
0x3e: {  	_ =	shalt  }
0x3f: {  	_ =	shalt  }
0x40: {  	_ =	shalt  }
0x41: {  	_ =	shalt  }
0x42: {  	_ =	shalt  }
0x43: {  	_ =	shalt  }
0x44: {  	_ =	shalt  }
0x45: {  	_ =	shalt  }
0x46: {  	_ =	shalt  }
0x47: {  	_ =	shalt  }
0x48: {  	_ =	shalt  }
0x49: {  	_ =	shalt  }
0x4a: {  	_ =	shalt  }
0x4b: {  	_ =	shalt  }
0x4c: {  	_ =	shalt  }
0x4d: {  	_ =	shalt  }
0x4e: {  	_ =	shalt  }
0x4f: {  	_ =	shalt  }
0x50: {  	_ =	shalt  }
0x51: {  	_ =	shalt  }
0x52: {  	_ =	shalt  }
0x53: {  	_ =	shalt  }
0x54: {  	_ =	shalt  }
0x55: {  	_ =	shalt  }
0x56: {  	_ =	shalt  }
0x57: {  	_ =	shalt  }
0x58: {  	_ =	shalt  }
0x59: {  	_ =	shalt  }
0x5a: {  	_ =	shalt  }
0x5b: {  	_ =	shalt  }
0x5c: {  	_ =	shalt  }
0x5d: {  	_ =	shalt  }
0x5e: {  	_ =	shalt  }
0x5f: {  	_ =	shalt  }
0x60: {  	_ =	shalt  }
0x61: {  	_ =	shalt  }
0x62: {  	_ =	shalt  }
0x63: {  	_ =	shalt  }
0x64: {  	_ =	shalt  }
0x65: {  	_ =	shalt  }
0x66: {  	_ =	shalt  }
0x67: {  	_ =	shalt  }
0x68: {  	_ =	shalt  }
0x69: {  	_ =	shalt  }
0x6a: {  	_ =	shalt  }
0x6b: {  	_ =	shalt  }
0x6c: {  	_ =	shalt  }
0x6d: {  	_ =	shalt  }
0x6e: {  	_ =	shalt  }
0x6f: {  	_ =	shalt  }
0x70: {  	_ =	shalt  }
0x71: {  	_ =	shalt  }
0x72: {  	_ =	shalt  }
0x73: {  	_ =	shalt  }
0x74: {  	_ =	shalt  }
0x75: {  	_ =	shalt  }
0x76: {  	_ =	shalt  }
0x77: {  	_ =	shalt  }
0x78: {  	_ =	shalt  }
0x79: {  	_ =	shalt  }
0x7a: {  	_ =	shalt  }
0x7b: {  	_ =	shalt  }
0x7c: {  	_ =	shalt  }
0x7d: {  	_ =	shalt  }
0x7e: {  	_ =	shalt  }
0x7f: {  	_ =	shalt  }
0x80: {  	_ =	shalt  }
0x81: {  	_ =	shalt  }
0x82: {  	_ =	shalt  }
0x83: {  	_ =	shalt  }
0x84: {  	_ =	shalt  }
0x85: {  	_ =	shalt  }
0x86: {  	_ =	shalt  }
0x87: {  	_ =	shalt  }
.Lfunc_end0:
.L_simem_size_0:
called_computation_lowered:
.L_overlay_start_0:
0x88: {  	s2 =	sld [smem:$0x3FD9]  }
0x89: {  	s3 =	sld [smem:$0x3FFE];
	_ =	sdelay $0x1  }
0x8a: {  	s1 =	srdreg.scid  }
0x8b: {  	s0 =	sand.u32 $0x1, s1  }
0x8c: {  	s14 =	sshll.u32 s0, $0xA;
	s2 =	sadd.s32 s3, s2  }
0x8d: {  	s2 =	sadd.s32 s2, s14  }
0x8e: {  	[smem:$0x3FC6] =	sst s2  }
0x8f: {  	_ = 	snop  }
0x90: {  	s2 =	sld [smem:$0x3FD0];
	_ =	sdelay $0x2  }
0x91: {  	s4 =	simm.s32 $0xA;
	s5 =	simm.s32 $0x10;
	s15 =	sld [smem:$0x3FC8]  }
0x92: {  	[smem:s5], [sflag:s4] =	dma.local [hbm:s2], $0x1  }
0x93: {  	_ =	swait.eq [sflag:s4], $0x1  }
0x94: {  	[sflag:s4] =	ssyncset.done $0x0  }
0x95: {  	[sflag:s4] =	ssyncadd.s32 $0xFFFFFFFF  }
0x96: {  	s16 =	sld [smem:$0x11];
	(tm) =	ssettm $0x1  }
0x97: {  	s17 =	sld [smem:$0x3FFB];
	_ =	sdelay $0x3  }
0x98: {  	_ =	strace s17  }
0x99: {  	s4 =	sld [smem:$0x3FFC];
	_ =	sdelay $0x3  }
0x9a: {  	_ =	strace s4  }
0x9b: {  	s4 =	sld [smem:$0x3FFD];
	_ =	sdelay $0x3  }
0x9c: {  	_ =	strace s4  }
0x9d: {  	_ =	strace $0x8FFFFFFF  }
0x9e: {  	s18 =	sld [smem:$0x3FDB];
	_ =	sdelay $0x1  }
0x9f: {  	s19 =	simm.s32 $_scs_section_size  }
0xa0: {  	s6 =	simm.s32 $_size__tile_overlayer_lowered;
	s7 =	simm.s32 $_tile_overlayer_lowered  }
0xa1: {  	s22 =	simm.s32 $0x1BFF;
	s21 =	sshll.u32 s7, $0x1;
	s4 =	sadd.s32 s19, s18  }
0xa2: {  	s8 =	simm.s32 $0x0;
	s20 =	sshll.u32 s6, $0x1;
	s6 =	sadd.s32 s21, s4  }
0xa3: {  	[timem:s8], [sflag:s22] =	dma.local [hbm:s6], s20  }
0xa4: {  	_ =	swait.ge [sflag:s22], s20  }
0xa5: {  	s5 =	ssub.s32 $0x0, s20;
	[sflag:s22] =	ssyncset.done $0x0  }
0xa6: {  	[sflag:s22] =	ssyncadd.s32 s5;
	_ =	sdelay $0x1  }
0xa7: {  	s23 =	simm.s32 $0x1B8B  }
0xa8: {  	_ =	swait.ge [sflag:s23], $0x1  }
0xa9: {  	[sflag:s23] =	ssyncset.done $0x0  }
0xaa: {  	s25 =	simm.s32 $0x1B8E;
	s24 =	sld [smem:$0x3FFE];
	[sflag:s23] =	ssyncadd.s32 $0xFFFFFFFF  }
0xab: {  	s26 =	simm.s32 $execute0_lowered;
	[smem:$0x3FD2] =	sst s25  }
0xac: {  	s6 =	sshll.u32 s26, $0x1;
	_ =	strace $0x80000046;
	[dreg:$0x1] =	wrdreg $0xFFFFFFFF  }
0xad: {  	s28 =	simm.s32 $_size_execute0_lowered;
	s4 =	sadd.s32 s4, s6;
	[dreg:$0x0] =	wrdreg $0x0  }
0xae: {  	s6 =	sshll.u32 s28, $0x1;
	[dreg:$0x2] =	wrdreg s4  }
0xaf: {  	[dreg:$0x3] =	wrdreg s6  }
0xb0: {  	[dreg:$0x4] =	wrdreg $0xC0  }
0xb1: {  	_ =	task [dreg:s8], $0x5FFFF  }
0xb2: {  	[dreg:$0x1] =	wrdreg $0xFFFFFFFF  }
0xb3: {  	[dreg:$0x0] =	wrdreg $0x60  }
0xb4: {  	[dreg:$0x2] =	wrdreg s24  }
0xb5: {  	[dreg:$0x3] =	wrdreg s15  }
0xb6: {  	[dreg:$0x4] =	wrdreg s16  }
0xb7: {  	[dreg:$0x5] =	wrdreg $0x9  }
0xb8: {  	_ =	task.clear_ibuf [dreg:s8], $0x6FFFF;
	_ =	strace $0x90000046  }
0xb9: {  	s29 =	simm.s32 $0x9;
	_ =	strace $0x80000048  }
0xba: {  	_ =	swait.ge [sflag:s29], $0x1  }
0xbb: {  	[sflag:s29] =	ssyncadd.s32 $0xFFFFFFFF  }
0xbc: {  	_ =	strace $0x90000048  }
0xbd: {  	_ =	sfence  }
0xbe: {  	s30 =	sld [smem:$0x0];
	_ =	sdelay $0x2  }
0xbf: {  	s31 =	sshll.u32 s1, $0xD;
	s1 =	sshrl.u32 s1, $0x2  }
0xc0: {  	s3 =	sand.u32 $0x4000, s31;
	s1 =	sadd.s32 s1, s30  }
0xc1: {  	s0 =	sor.u32 s3, s0;
	s1 =	sshll.u32 s1, $0x11  }
0xc2: {  	s0 =	sor.u32 s1, s0  }
0xc3: {  	s0 =	sadd.s32 $0x8F2B, s0  }
0xc4: {  	[sflag:s0] =	ssyncadd.remote.s32 $0x1  }
0xc5: {  	_ =	sfence.sel $0xFFFF  }
0xc6: {  	[dreg:$0x0] =	wrdreg $0xFFFFFFFF;
	(pc) =	sbr.abs _section_cstart, $3  }
0xc7: {  	[dreg:$0x1] =	wrdreg $0xFFFFFFFF  }
0xc8: {  	_ =	task.clear_ibuf [dreg:s8], $0x2FFFF;
	_ =	strace $0x9FFFFFFF  }
0xc9: {  	(tm) =	ssettm $0x7FFFFFFF  }
tec
execute0_lowered:
.L_overlay_start_1:
0x0: {  	(tag) =	ssettag $0x1  }
0x1: {  	s0 =	srdreg.scid  }
0x2: {  	s7 =	sand.u32 $0x1, s0;
	s0 =	stileid.u32  }
0x3: {  	s4 =	sor.u32 s0, s7  }
0x4: {  	p0 =	sne.s32 s4, $0x0  }
.Ltmp0:
0x5: {  	_ = 	snop;
	(pc) =	sbr.rel @p0 .LBB2_4-.Ltmp0, $4  }
0x6: {  	s6 =	rddreg [dreg:$0x0]  }
0x7: {  	s2 =	rddreg [dreg:$0x1]  }
0x8: {  	s3 =	rddreg [dreg:$0x2]  }
0x9: {  	s1 =	rddreg [dreg:$0x3];
	_ =	strace $0x80000047  }
0xa: {  	s5 =	simm.s32 $0x0;
	s4 =	simm.s32 $0x2  }
0xb: {  	[tilespmem:s5], [sflag:$0x2] =	stream.linear.gather [hbm4b:s2+s5], $0x80, $0x38;
	[tilespmem:$0x180] =	vst v63  }
0xc: {  	_ =	swait.ge [sflag:s4], $0x80  }
0xd: {  	[sflag:s4] =	ssyncset.done $0x0  }
0xe: {  	[sflag:s4] =	ssyncadd.s32 $0xFFFFFF80  }
0xf: {  	v3 =	vld [tilespmem:$0x30]  }
0x10: {  	v0 =	vlaneseq.u32;
	v4 =	vld [tilespmem:$0x20]  }
0x11: {  	v0 =	vmul.u32 $0xF4240, v0;
	v5 =	vld [tilespmem:$0x0]  }
0x12: {  	v6 =	vld [tilespmem:$0x10]  }
0x13: {  	v1 =	vadd.s32 $0x2DC6C00, v0  }
0x14: {  	s11 =	ssub.s32 $0x2, s7;
	v2 =	vadd.s32 $0x1E84800, v0;
	v3 =	vadd.s32 v1, v3  }
0x15: {  	s12 =	sshrl.u32 s11, $0x1;
	v4 =	vadd.s32 v2, v4;
	[tilespmem:$0xB0] =	vst v3  }
0x16: {  	s6 =	sadd.s32 $0x800, s6;
	s11 =	ssub.s32 s11, s12;
	v5 =	vadd.s32 v0, v5;
	v3 =	vadd.s32 $0xF42400, v0;
	[tilespmem:$0xA0] =	vst v4  }
0x17: {  	s7 =	simm.s32 $0x40;
	s9 =	simm.s32 $0x80;
	p0 =	sne.s32 s11, $0x1;
	[tilespmem:$0x80] =	vst v5;
	v4 =	vadd.s32 v3, v6  }
.Ltmp1:
0x18: {  	s8 =	simm.s32 $0x100;
	s10 =	simm.s32 $0x1;
	[tilespmem:$0x90] =	vst v4;
	(pc) =	sbr.rel @!p0 .LBB2_3-.Ltmp1, $4  }
0x19: {  	[tilespmem:s8], [sflag:$0x1] =	stream.indirect.gather [hbm4b:s6+s7], $0x1, s9, s7, $0xb8;
	[tilespmem:$0x180] =	vst v63  }
0x1a: {  	_ =	swait.ge [sflag:s10], $0x40  }
0x1b: {  	[sflag:s10] =	ssyncset.done $0x0  }
0x1c: {  	s11 =	sadd.s32 $0xFFFFFFFF, s11;
	[sflag:s10] =	ssyncadd.s32 $0xFFFFFFC0  }
.LBB2_2:
0x1d: {  	[hbm4b:s3+s5] =	stream.linear.scatter [tilespmem:s8], [sflag:$0x2], $0x80, $0x38;
	[tilespmem:$0x180] =	vst v63  }
0x1e: {  	p0 =	sne.s32 s11, $0x1;
	s11 =	sadd.s32 $0xFFFFFFFF, s11;
	_ =	swait.ge [sflag:s4], $0x80  }
0x1f: {  	[sflag:s4] =	ssyncset.done $0x0  }
0x20: {  	[sflag:s4] =	ssyncadd.s32 $0xFFFFFF80  }
0x21: {  	[tilespmem:s5], [sflag:$0x2] =	stream.linear.gather [hbm4b:s2+s5], $0x80, $0x38;
	[tilespmem:$0x180] =	vst v63  }
0x22: {  	_ =	swait.ge [sflag:s4], $0x80  }
0x23: {  	[sflag:s4] =	ssyncset.done $0x0  }
0x24: {  	[sflag:s4] =	ssyncadd.s32 $0xFFFFFF80  }
0x25: {  	v4 =	vld [tilespmem:$0x30]  }
0x26: {  	v5 =	vld [tilespmem:$0x20]  }
0x27: {  	v6 =	vld [tilespmem:$0x0]  }
0x28: {  	v7 =	vld [tilespmem:$0x10];
	_ =	sdelay $0x1  }
0x29: {  	v4 =	vadd.s32 v1, v4  }
0x2a: {  	v5 =	vadd.s32 v2, v5;
	[tilespmem:$0xB0] =	vst v4  }
0x2b: {  	v4 =	vadd.s32 v0, v6;
	[tilespmem:$0xA0] =	vst v5  }
0x2c: {  	[tilespmem:$0x80] =	vst v4;
	v4 =	vadd.s32 v3, v7  }
.Ltmp2:
0x2d: {  	[tilespmem:$0x90] =	vst v4;
	(pc) =	sbr.rel @p0 .LBB2_2-.Ltmp2, $4  }
0x2e: {  	[tilespmem:s8], [sflag:$0x1] =	stream.indirect.gather [hbm4b:s6+s7], $0x1, s9, s7, $0xb8;
	[tilespmem:$0x180] =	vst v63  }
0x2f: {  	_ =	swait.ge [sflag:s10], $0x40  }
0x30: {  	[sflag:s10] =	ssyncset.done $0x0  }
0x31: {  	[sflag:s10] =	ssyncadd.s32 $0xFFFFFFC0  }
.LBB2_3:
0x32: {  	[hbm4b:s3+s5] =	stream.linear.scatter [tilespmem:s8], [sflag:$0x2], $0x80, $0x38;
	[tilespmem:$0x180] =	vst v63  }
0x33: {  	_ =	swait.ge [sflag:s4], $0x80  }
0x34: {  	[sflag:s4] =	ssyncset.done $0x0  }
0x35: {  	[sflag:s4] =	ssyncadd.s32 $0xFFFFFF80  }
.LBB2_4:
0x36: {  	_ =	sfence.sel $0x180000  }
0x37: {  	[bflag:$0x0] =	sbarrier.arrive $0xFFFF  }
0x38: {  	p0 =	sne.s32 s0, $0x0;
	_ =	strace $0x90000047  }
0x39: {  	s0 =	sadd.s32 @!p0 $0x100000, s1;
	[bflag:$0x2] =	sbarrier.arrive $0xFFFF  }
0x3a: {  	[sflag:s0] =	ssyncadd.tile.s32 @!p0 $0x1;
	_ =	shalt  }
.Lfunc_end2:
_tile_overlayer_lowered:
.L_overlay_start_2:
0x3b: {  	(tag) =	ssettag $0x2  }
0x3c: {  	s0 =	rddreg [dreg:$0x0];
	s2 =	stileid.u32  }
0x3d: {  	s1 =	rddreg [dreg:$0x1];
	p0 =	sne.s32 s2, $0x0  }
0x3e: {  	s3 =	rddreg [dreg:$0x2];
	[bflag:$0x3] =	sbarrier.arrive $0xFFFF;
	s2 =	simm.s32 @!p0 $0x1C02  }
0x3f: {  	[timem:s3], [sflag:s2] =	dma.local @!p0 [hbm:s0], s1  }
0x40: {  	s0 =	simm.s32 @!p0 $0x2  }
0x41: {  	_ =	swait.ge @!p0 [sflag:s0], s1  }
0x42: {  	s1 =	ssub.s32 @!p0 $0x0, s1;
	[sflag:s0] =	ssyncset.done @!p0 $0x0  }
0x43: {  	[sflag:s0] =	ssyncadd.s32 @!p0 s1  }
0x44: {  	[bflag:$0x3] =	sbarrier.arrive $0xFFFF  }
0x45: {  	_ =	shalt  }

</sc_bundles>
